<compile_context>
chip_gen: v7x
topology: tpu7x:2x2x1
jax: 0.10.2.dev20260603
libtpu: 0.0.44.dev20260713+nightly
codegen_flags: <defaults>
</compile_context>

<pallas_src>
import functools

import jax
import jax.numpy as jnp
from jax import lax
from jax.experimental import pallas as pl
from jax.experimental.pallas import tpu as pltpu
from jax.experimental.pallas import tpu_sc as plsc

WIDTH = 128
SBLK = 256
K = 16
CMID = 16
CPAD = 128


def _sc_gather(tbl, idx, n_rows):
    info = plsc.get_sparse_core_info()
    nw = info.num_cores * info.num_subcores
    per_w = n_rows // nw
    ch = 512
    n_ch = per_w // ch
    mesh = plsc.VectorSubcoreMesh(core_axis_name="c", subcore_axis_name="s")

    @functools.partial(
        pl.kernel,
        mesh=mesh,
        out_type=jax.ShapeDtypeStruct((n_rows, WIDTH), jnp.float32),
        scratch_types=[
            pltpu.VMEM((ch,), jnp.int32),
            pltpu.VMEM((ch, WIDTH), jnp.float32),
            pltpu.SemaphoreType.DMA,
        ],
    )
    def k(tbl_hbm, idx_hbm, out_hbm, idx_v, rows_v, sem):
        wid = lax.axis_index("s") * info.num_cores + lax.axis_index("c")

        def body(i, carry):
            base = wid * per_w + i * ch
            pltpu.sync_copy(idx_hbm.at[pl.ds(base, ch)], idx_v)
            pltpu.async_copy(tbl_hbm.at[idx_v], rows_v, sem).wait()
            pltpu.sync_copy(rows_v, out_hbm.at[pl.ds(base, ch)])
            return carry

        lax.fori_loop(0, n_ch, body, 0)

    return k(tbl, idx)


def _leaky(x):
    return jnp.where(x >= 0, x, 0.2 * x)


def _ln_post(d, g, b, eps=1e-5):
    n = d.shape[-1]
    j = jnp.full((n, n), 1.0 / n, jnp.float32)
    v = (d * d) @ j
    return d * lax.rsqrt(v + eps) * g + b


def _tc_body(g_ref, nxt_ref,
             w0_ref, b0_ref, g0_ref, be0_ref,
             w1_ref, b1_ref, g1_ref, be1_ref,
             w2_ref, b2_ref, g2_ref, be2_ref,
             wlp_ref, bl_ref, gl_ref, bel_ref,
             out_ref):
    g = g_ref[0]
    rows = SBLK * K
    gxn = g[:, 64:67] - nxt_ref[0]

    h = _leaky(_ln_post(gxn @ w0_ref[...] + b0_ref[...], g0_ref[...], be0_ref[...]))
    h = _leaky(_ln_post(h @ w1_ref[...] + b1_ref[...], g1_ref[...], be1_ref[...]))
    w = _leaky(_ln_post(h @ w2_ref[...] + b2_ref[...], g2_ref[...], be2_ref[...]))

    a = jnp.concatenate(
        [g[:, :64], gxn, jnp.zeros((rows, CPAD - 67), jnp.float32)], axis=-1)
    a3 = a.reshape(SBLK, K, CPAD)
    w3 = w.reshape(SBLK, K, CMID)

    out3 = lax.dot_general(w3, a3, (((1,), (1,)), ((0,), (0,))))
    d = bl_ref[...] + out3.reshape(SBLK, CMID * CPAD) @ wlp_ref[...].reshape(
        CMID * CPAD, 64)
    f = _leaky(_ln_post(d, gl_ref[...], bel_ref[...]))
    out_ref[0] = f


def kernel(xyz, points, new_xyz, nn_idx,
           w0, b0, g0, be0,
           w1, b1, g1, be1,
           w2, b2, g2, be2,
           wl, bl, gl, bel):
    B, C, N = xyz.shape
    _, D, _ = points.shape
    _, S, _ = nn_idx.shape
    out_ch = wl.shape[1]

    tbl = jnp.concatenate(
        [points.transpose(0, 2, 1), xyz.transpose(0, 2, 1),
         jnp.zeros((B, N, WIDTH - D - C), jnp.float32)], axis=-1
    ).reshape(B * N, WIDTH)
    flat_idx = (nn_idx.reshape(B, S * K).astype(jnp.int32)
                + (jnp.arange(B, dtype=jnp.int32) * N)[:, None]).reshape(-1)

    gathered = _sc_gather(tbl, flat_idx, B * S * K)

    nxt = jnp.repeat(new_xyz.transpose(0, 2, 1), K, axis=1)

    def center(wm, bv):
        n = wm.shape[1]
        cm = jnp.eye(n, dtype=jnp.float32) - jnp.full((n, n), 1.0 / n)
        return wm @ cm, bv @ cm

    w0c, b0c = center(w0, b0)
    w1c, b1c = center(w1, b1)
    w2c, b2c = center(w2, b2)
    wlr = wl.reshape(C + D, CMID, out_ch).transpose(1, 0, 2)
    wlp = jnp.zeros((CMID, CPAD, out_ch), jnp.float32).at[:, :C + D].set(wlr)
    c64 = jnp.eye(out_ch, dtype=jnp.float32) - jnp.full((out_ch, out_ch), 1.0 / out_ch)
    wlp = wlp @ c64
    blc = bl @ c64

    grid = (B, S // SBLK)
    out = pl.pallas_call(
        _tc_body,
        grid=grid,
        in_specs=[
            pl.BlockSpec((1, SBLK * K, WIDTH), lambda b, s: (b, s, 0)),
            pl.BlockSpec((1, SBLK * K, 3), lambda b, s: (b, s, 0)),
            pl.BlockSpec((C, 8), lambda b, s: (0, 0)),
            pl.BlockSpec((1, 8), lambda b, s: (0, 0)),
            pl.BlockSpec((1, 8), lambda b, s: (0, 0)),
            pl.BlockSpec((1, 8), lambda b, s: (0, 0)),
            pl.BlockSpec((8, 8), lambda b, s: (0, 0)),
            pl.BlockSpec((1, 8), lambda b, s: (0, 0)),
            pl.BlockSpec((1, 8), lambda b, s: (0, 0)),
            pl.BlockSpec((1, 8), lambda b, s: (0, 0)),
            pl.BlockSpec((8, CMID), lambda b, s: (0, 0)),
            pl.BlockSpec((1, CMID), lambda b, s: (0, 0)),
            pl.BlockSpec((1, CMID), lambda b, s: (0, 0)),
            pl.BlockSpec((1, CMID), lambda b, s: (0, 0)),
            pl.BlockSpec((CMID, CPAD, out_ch), lambda b, s: (0, 0, 0)),
            pl.BlockSpec((1, out_ch), lambda b, s: (0, 0)),
            pl.BlockSpec((1, out_ch), lambda b, s: (0, 0)),
            pl.BlockSpec((1, out_ch), lambda b, s: (0, 0)),
        ],
        out_specs=pl.BlockSpec((1, SBLK, out_ch), lambda b, s: (b, s, 0)),
        out_shape=jax.ShapeDtypeStruct((B, S, out_ch), jnp.float32),
    )(gathered.reshape(B, S * K, WIDTH), nxt,
      w0c, b0c.reshape(1, -1), g0.reshape(1, -1), be0.reshape(1, -1),
      w1c, b1c.reshape(1, -1), g1.reshape(1, -1), be1.reshape(1, -1),
      w2c, b2c.reshape(1, -1), g2.reshape(1, -1), be2.reshape(1, -1),
      wlp, blc.reshape(1, -1), gl.reshape(1, -1), bel.reshape(1, -1))

    return out.transpose(0, 2, 1)

# --- scband reference (transcript-rebuilt; emitter-appended) ---
"""Pipeline reference for scband-point-conv-36816459661390 (READ-ONLY COPY).

The authoritative reference and input builder live on the scoring server;
editing this copy changes nothing except your own understanding.
"""

import jax, jax.numpy as jnp
import numpy as np


def _layer_norm(x, g, b, eps=1e-5):
    m = jnp.mean(x, axis=-1, keepdims=True)
    v = jnp.var(x, axis=-1, keepdims=True)
    return (x - m) / jnp.sqrt(v + eps) * g + b


def _leaky(x):
    return jnp.where(x >= 0, x, 0.2 * x)


def _group(features, idx):
    # features: [B, C, N], idx: [B, S, K] -> [B, C, S, K]
    return jax.vmap(lambda f, i: f[:, i])(features, idx)


def setup_inputs(seed: int = 0) -> dict:
    key = jax.random.key(seed)
    ks = jax.random.split(key, 12)
    B, N, S, K = 8, 16384, 4096, 16
    C, D, c_mid, out_ch = 3, 64, 16, 64
    inp = {}
    inp["xyz"] = jax.random.normal(ks[0], (B, C, N), dtype=jnp.float32)
    inp["points"] = jax.random.normal(ks[1], (B, D, N), dtype=jnp.float32)
    inp["new_xyz"] = jax.random.normal(ks[2], (B, C, S), dtype=jnp.float32)
    inp["nn_idx"] = jax.random.randint(ks[3], (B, S, K), 0, N).astype(jnp.int64)
    # WeightNet params: Linear(3,8)+LN(8), Linear(8,8)+LN(8), Linear(8,16)+LN(16)
    inp["w0"] = jax.random.normal(ks[4], (C, 8), dtype=jnp.float32) * 0.3
    inp["b0"] = jnp.zeros((8,), jnp.float32)
    inp["g0"] = jnp.ones((8,), jnp.float32)
    inp["be0"] = jnp.zeros((8,), jnp.float32)
    inp["w1"] = jax.random.normal(ks[5], (8, 8), dtype=jnp.float32) * 0.3
    inp["b1"] = jnp.zeros((8,), jnp.float32)
    inp["g1"] = jnp.ones((8,), jnp.float32)
    inp["be1"] = jnp.zeros((8,), jnp.float32)
    inp["w2"] = jax.random.normal(ks[6], (8, c_mid), dtype=jnp.float32) * 0.3
    inp["b2"] = jnp.zeros((c_mid,), jnp.float32)
    inp["g2"] = jnp.ones((c_mid,), jnp.float32)
    inp["be2"] = jnp.zeros((c_mid,), jnp.float32)
    # final linear: Linear(c_mid*(C+D), out_ch) + LN(out_ch)
    last_ch = C + D
    inp["wl"] = jax.random.normal(ks[7], (c_mid * last_ch, out_ch), dtype=jnp.float32) * 0.02
    inp["bl"] = jnp.zeros((out_ch,), jnp.float32)
    inp["gl"] = jnp.ones((out_ch,), jnp.float32)
    inp["bel"] = jnp.zeros((out_ch,), jnp.float32)
    return inp


def reference(xyz, points, new_xyz, nn_idx,
              w0, b0, g0, be0,
              w1, b1, g1, be1,
              w2, b2, g2, be2,
              wl, bl, gl, bel):
    B, C, N = xyz.shape
    _, _, S = new_xyz.shape
    # group(): gather neighbors
    grouped_xyz = _group(xyz, nn_idx)                      # [B, C, S, K]
    grouped_xyz_norm = grouped_xyz - new_xyz[:, :, :, None]
    new_points = _group(points, nn_idx)                    # [B, D, S, K]
    new_points = jnp.transpose(new_points, (0, 1, 3, 2))   # [B, D, K, S]
    gxn = jnp.transpose(grouped_xyz_norm, (0, 1, 3, 2))    # [B, C, K, S]
    new_points = jnp.concatenate([new_points, gxn], axis=1)  # [B, C+D, K, S]
    # WeightNet on gxn
    w = jnp.transpose(gxn, (0, 2, 3, 1))                   # [B, K, S, C]
    w = _leaky(_layer_norm(w @ w0 + b0, g0, be0))
    w = _leaky(_layer_norm(w @ w1 + b1, g1, be1))
    w = _leaky(_layer_norm(w @ w2 + b2, g2, be2))
    weights = jnp.transpose(w, (0, 3, 1, 2))               # [B, c_mid, K, S]
    a = jnp.transpose(new_points, (0, 3, 1, 2))            # [B, S, C+D, K]
    bm = jnp.transpose(weights, (0, 3, 2, 1))              # [B, S, K, c_mid]
    out = jnp.matmul(a, bm).reshape(B, S, -1)              # [B, S, (C+D)*c_mid]
    out = out @ wl + bl
    out = _layer_norm(out, gl, bel)
    out = _leaky(out)
    return jnp.transpose(out, (0, 2, 1))                   # [B, out_ch, S]

if __name__ == "__main__":
    import jax
    _d = setup_inputs()
    print(jax.jit(kernel)(*tuple(_d.values())))

</pallas_src>

<mosaic_0001>
#map = affine_map<(d0, d1) -> (0, 0)>
#map1 = affine_map<(d0, d1) -> (0)>
module attributes {stable_mosaic.version = 14 : i64} {
  func.func @k(%arg0: i32, %arg1: i32, %arg2: memref<131072x128xf32, #tpu.memory_space<hbm>>, %arg3: memref<524288xi32, #tpu.memory_space<hbm>>, %arg4: memref<524288x128xf32, #tpu.memory_space<hbm>>, %arg5: memref<512xi32, #tpu.memory_space<vmem>>, %arg6: memref<512x128xf32, #tpu.memory_space<vmem>>, %arg7: memref<!tpu.dma_semaphore, #tpu.memory_space<semaphore_mem>>) attributes {dimension_semantics = [#tpu.dimension_semantics<core_parallel>, #tpu.dimension_semantics<subcore_parallel>], iteration_bounds = array<i64: 2, 16>, scalar_prefetch = 0 : i64, scratch_operands = 3 : i64, tpu.core_type = #tpu.core_type<sc_vector_subcore>, window_params = [{transform_indices = #map}, {transform_indices = #map1}, {transform_indices = #map}]} {
    %mul3A = arith.constant 2 : i32
    %mul3A_0 = arith.muli %arg1, %mul3A : i32
    %add3A = arith.addi %mul3A_0, %arg0 : i32
    %scan3A = arith.constant 0 : i32
    %scan3A_1 = arith.constant 0 : i32
    %scan3A_2 = arith.constant 32 : i32
    %scan3A_3 = arith.addi %scan3A_1, %scan3A_2 : i32
    %scan3A_4 = arith.constant 1 : i32
    scf.for %scan3A_6 = %scan3A_1 to %scan3A_3 step %scan3A_4  : i32 {
      %mul3A_7 = arith.constant 16384 : i32
      %mul3A_8 = arith.muli %add3A, %mul3A_7 : i32
      %mul3A_9 = arith.constant 512 : i32
      %mul3A_10 = arith.muli %scan3A_6, %mul3A_9 : i32
      %add3A_11 = arith.addi %mul3A_8, %mul3A_10 : i32
      "tpu.region"() ({
        %run_scoped3A = tpu.sem_alloc : memref<!tpu.dma_semaphore, #tpu.memory_space<semaphore_mem>>
        %dma_start3A_16 = tpu.memref_slice %arg3[%add3A_11] : memref<524288xi32, #tpu.memory_space<hbm>> -> memref<512xi32, #tpu.memory_space<hbm>>
        %dma_start3A_17 = tpu.memref_slice %arg3[%add3A_11] : memref<524288xi32, #tpu.memory_space<hbm>> -> memref<512xi32, #tpu.memory_space<hbm>>
        tpu.enqueue_dma source(%dma_start3A_17 : memref<512xi32, #tpu.memory_space<hbm>>) target(%arg5 : memref<512xi32, #tpu.memory_space<vmem>>) target_semaphore(%run_scoped3A : memref<!tpu.dma_semaphore, #tpu.memory_space<semaphore_mem>>)
        %dma_wait3A_18 = tpu.memref_slice %arg3[%add3A_11] : memref<524288xi32, #tpu.memory_space<hbm>> -> memref<512xi32, #tpu.memory_space<hbm>>
        %dma_wait3A_19 = tpu.memref_slice %arg3[%add3A_11] : memref<524288xi32, #tpu.memory_space<hbm>> -> memref<512xi32, #tpu.memory_space<hbm>>
        tpu.wait_dma2 semaphore(%run_scoped3A : memref<!tpu.dma_semaphore, #tpu.memory_space<semaphore_mem>>) src(%dma_wait3A_19 : memref<512xi32, #tpu.memory_space<hbm>>) dst(%arg5 : memref<512xi32, #tpu.memory_space<vmem>>)
        tpu.yield
      }) : () -> ()
      %dma_start3A = arith.constant 0 : i32
      %dma_start3A_12 = arith.constant 0 : i32
      %dma_start3A_13 = tpu.memref_slice %arg2[%dma_start3A, %dma_start3A_12] : memref<131072x128xf32, #tpu.memory_space<hbm>> -> memref<131072x128xf32, #tpu.memory_space<hbm>>
      tpu.enqueue_indirect_dma source(%dma_start3A_13 : memref<131072x128xf32, #tpu.memory_space<hbm>>) target(%arg6 : memref<512x128xf32, #tpu.memory_space<vmem>>) offsets(%arg5 : memref<512xi32, #tpu.memory_space<vmem>>) semaphore(%arg7 : memref<!tpu.dma_semaphore, #tpu.memory_space<semaphore_mem>>)
      %dma_wait3A = arith.constant 0 : i32
      %dma_wait3A_14 = arith.constant 0 : i32
      %dma_wait3A_15 = tpu.memref_slice %arg2[%dma_wait3A, %dma_wait3A_14] : memref<131072x128xf32, #tpu.memory_space<hbm>> -> memref<131072x128xf32, #tpu.memory_space<hbm>>
      tpu.wait_indirect_dma semaphore(%arg7 : memref<!tpu.dma_semaphore, #tpu.memory_space<semaphore_mem>>) src(%dma_wait3A_15 : memref<131072x128xf32, #tpu.memory_space<hbm>>) dst(%arg6 : memref<512x128xf32, #tpu.memory_space<vmem>>)
      "tpu.region"() ({
        %run_scoped3A = tpu.sem_alloc : memref<!tpu.dma_semaphore, #tpu.memory_space<semaphore_mem>>
        %dma_start3A_16 = arith.constant 0 : i32
        %dma_start3A_17 = tpu.memref_slice %arg4[%add3A_11, %dma_start3A_16] : memref<524288x128xf32, #tpu.memory_space<hbm>> -> memref<512x128xf32, #tpu.memory_space<hbm>>
        %dma_start3A_18 = arith.constant 0 : i32
        %dma_start3A_19 = tpu.memref_slice %arg4[%add3A_11, %dma_start3A_18] : memref<524288x128xf32, #tpu.memory_space<hbm>> -> memref<512x128xf32, #tpu.memory_space<hbm>>
        tpu.enqueue_dma source(%arg6 : memref<512x128xf32, #tpu.memory_space<vmem>>) target(%dma_start3A_19 : memref<512x128xf32, #tpu.memory_space<hbm>>) target_semaphore(%run_scoped3A : memref<!tpu.dma_semaphore, #tpu.memory_space<semaphore_mem>>)
        %dma_wait3A_20 = arith.constant 0 : i32
        %dma_wait3A_21 = tpu.memref_slice %arg4[%add3A_11, %dma_wait3A_20] : memref<524288x128xf32, #tpu.memory_space<hbm>> -> memref<512x128xf32, #tpu.memory_space<hbm>>
        %dma_wait3A_22 = arith.constant 0 : i32
        %dma_wait3A_23 = tpu.memref_slice %arg4[%add3A_11, %dma_wait3A_22] : memref<524288x128xf32, #tpu.memory_space<hbm>> -> memref<512x128xf32, #tpu.memory_space<hbm>>
        tpu.wait_dma2 semaphore(%run_scoped3A : memref<!tpu.dma_semaphore, #tpu.memory_space<semaphore_mem>>) src(%arg6 : memref<512x128xf32, #tpu.memory_space<vmem>>) dst(%dma_wait3A_23 : memref<512x128xf32, #tpu.memory_space<hbm>>)
        tpu.yield
      }) : () -> ()
    }
    %scan3A_5 = arith.constant 32 : i32
    return
  }
}

module attributes {stable_mosaic.version = 14 : i64} {
  func.func @_tc_body(%arg0: i32, %arg1: i32, %arg2: memref<1x4096x128xf32, #tpu.memory_space<vmem>>, %arg3: memref<1x4096x3xf32, #tpu.memory_space<vmem>>, %arg4: memref<3x8xf32, #tpu.memory_space<vmem>>, %arg5: memref<1x8xf32, #tpu.memory_space<vmem>>, %arg6: memref<1x8xf32, #tpu.memory_space<vmem>>, %arg7: memref<1x8xf32, #tpu.memory_space<vmem>>, %arg8: memref<8x8xf32, #tpu.memory_space<vmem>>, %arg9: memref<1x8xf32, #tpu.memory_space<vmem>>, %arg10: memref<1x8xf32, #tpu.memory_space<vmem>>, %arg11: memref<1x8xf32, #tpu.memory_space<vmem>>, %arg12: memref<8x16xf32, #tpu.memory_space<vmem>>, %arg13: memref<1x16xf32, #tpu.memory_space<vmem>>, %arg14: memref<1x16xf32, #tpu.memory_space<vmem>>, %arg15: memref<1x16xf32, #tpu.memory_space<vmem>>, %arg16: memref<16x128x64xf32, #tpu.memory_space<vmem>>, %arg17: memref<1x64xf32, #tpu.memory_space<vmem>>, %arg18: memref<1x64xf32, #tpu.memory_space<vmem>>, %arg19: memref<1x64xf32, #tpu.memory_space<vmem>>, %arg20: memref<1x256x64xf32, #tpu.memory_space<vmem>>) attributes {dimension_semantics = [#tpu.dimension_semantics<arbitrary>, #tpu.dimension_semantics<arbitrary>], iteration_bounds = array<i64: 8, 16>, scalar_prefetch = 0 : i64, scratch_operands = 0 : i64, tpu.core_type = #tpu.core_type<tc>, window_params = [{transform_indices = @transform_0, window_bounds = array<i64: 1, 4096, 128>}, {transform_indices = @transform_1, window_bounds = array<i64: 1, 4096, 3>}, {pipeline_mode = #tpu.pipeline_mode<synchronous>, transform_indices = @transform_2, window_bounds = array<i64: 3, 8>}, {pipeline_mode = #tpu.pipeline_mode<synchronous>, transform_indices = @transform_3, window_bounds = array<i64: 1, 8>}, {pipeline_mode = #tpu.pipeline_mode<synchronous>, transform_indices = @transform_4, window_bounds = array<i64: 1, 8>}, {pipeline_mode = #tpu.pipeline_mode<synchronous>, transform_indices = @transform_5, window_bounds = array<i64: 1, 8>}, {pipeline_mode = #tpu.pipeline_mode<synchronous>, transform_indices = @transform_6, window_bounds = array<i64: 8, 8>}, {pipeline_mode = #tpu.pipeline_mode<synchronous>, transform_indices = @transform_7, window_bounds = array<i64: 1, 8>}, {pipeline_mode = #tpu.pipeline_mode<synchronous>, transform_indices = @transform_8, window_bounds = array<i64: 1, 8>}, {pipeline_mode = #tpu.pipeline_mode<synchronous>, transform_indices = @transform_9, window_bounds = array<i64: 1, 8>}, {pipeline_mode = #tpu.pipeline_mode<synchronous>, transform_indices = @transform_10, window_bounds = array<i64: 8, 16>}, {pipeline_mode = #tpu.pipeline_mode<synchronous>, transform_indices = @transform_11, window_bounds = array<i64: 1, 16>}, {pipeline_mode = #tpu.pipeline_mode<synchronous>, transform_indices = @transform_12, window_bounds = array<i64: 1, 16>}, {pipeline_mode = #tpu.pipeline_mode<synchronous>, transform_indices = @transform_13, window_bounds = array<i64: 1, 16>}, {pipeline_mode = #tpu.pipeline_mode<synchronous>, transform_indices = @transform_14, window_bounds = array<i64: 16, 128, 64>}, {pipeline_mode = #tpu.pipeline_mode<synchronous>, transform_indices = @transform_15, window_bounds = array<i64: 1, 64>}, {pipeline_mode = #tpu.pipeline_mode<synchronous>, transform_indices = @transform_16, window_bounds = array<i64: 1, 64>}, {pipeline_mode = #tpu.pipeline_mode<synchronous>, transform_indices = @transform_17, window_bounds = array<i64: 1, 64>}, {transform_indices = @transform_18, window_bounds = array<i64: 1, 256, 64>}]} {
    %get3A = arith.constant 0 : index
    %get3A_0 = arith.constant 0 : index
    %get3A_1 = arith.constant 0 : index
    %get3A_2 = vector.load %arg2[%get3A, %get3A_0, %get3A_1] : memref<1x4096x128xf32, #tpu.memory_space<vmem>>, vector<1x4096x128xf32>
    %get3A_3 = vector.shape_cast %get3A_2 : vector<1x4096x128xf32> to vector<4096x128xf32>
    %slice3A = vector.extract_strided_slice %get3A_3 {offsets = [0, 64], sizes = [4096, 3], strides = [1, 1]} : vector<4096x128xf32> to vector<4096x3xf32>
    %get3A_4 = arith.constant 0 : index
    %get3A_5 = arith.constant 0 : index
    %get3A_6 = arith.constant 0 : index
    %get3A_7 = vector.load %arg3[%get3A_4, %get3A_5, %get3A_6] : memref<1x4096x3xf32, #tpu.memory_space<vmem>>, vector<1x4096x3xf32>
    %get3A_8 = vector.shape_cast %get3A_7 : vector<1x4096x3xf32> to vector<4096x3xf32>
    %sub3A = arith.subf %slice3A, %get3A_8 : vector<4096x3xf32>
    %get3A_9 = arith.constant 0 : index
    %get3A_10 = arith.constant 0 : index
    %get3A_11 = vector.load %arg4[%get3A_9, %get3A_10] : memref<3x8xf32, #tpu.memory_space<vmem>>, vector<3x8xf32>
    %dot_general3A = arith.constant dense<0.000000e+00> : vector<4096x8xf32>
    %dot_general3A_12 = tpu.matmul %sub3A, %get3A_11, %dot_general3A {dimension_numbers = #tpu.dot_dimension_numbers<[1], [0], [0], [1], [0, 0, 1, 1], [], []>, transpose_lhs_hint = false} : vector<4096x3xf32>, vector<3x8xf32>, vector<4096x8xf32> -> vector<4096x8xf32>
    %get3A_13 = arith.constant 0 : index
    %get3A_14 = arith.constant 0 : index
    %get3A_15 = vector.load %arg5[%get3A_13, %get3A_14] : memref<1x8xf32, #tpu.memory_space<vmem>>, vector<1x8xf32>
    %add3A = vector.broadcast %get3A_15 : vector<1x8xf32> to vector<4096x8xf32>
    %add3A_16 = arith.addf %dot_general3A_12, %add3A : vector<4096x8xf32>
    %get3A_17 = arith.constant 0 : index
    %get3A_18 = arith.constant 0 : index
    %get3A_19 = vector.load %arg6[%get3A_17, %get3A_18] : memref<1x8xf32, #tpu.memory_space<vmem>>, vector<1x8xf32>
    %get3A_20 = arith.constant 0 : index
    %get3A_21 = arith.constant 0 : index
    %get3A_22 = vector.load %arg7[%get3A_20, %get3A_21] : memref<1x8xf32, #tpu.memory_space<vmem>>, vector<1x8xf32>
    %broadcast_in_dim3A = arith.constant 1.250000e-01 : f32
    %broadcast_in_dim3A_23 = vector.broadcast %broadcast_in_dim3A : f32 to vector<8x8xf32>
    %mul3A = arith.mulf %add3A_16, %add3A_16 : vector<4096x8xf32>
    %dot_general3A_24 = arith.constant dense<0.000000e+00> : vector<4096x8xf32>
    %dot_general3A_25 = tpu.matmul %mul3A, %broadcast_in_dim3A_23, %dot_general3A_24 {dimension_numbers = #tpu.dot_dimension_numbers<[1], [0], [0], [1], [0, 0, 1, 1], [], []>, transpose_lhs_hint = false} : vector<4096x8xf32>, vector<8x8xf32>, vector<4096x8xf32> -> vector<4096x8xf32>
    %add3A_26 = arith.constant 9.99999974E-6 : f32
    %add3A_27 = vector.broadcast %add3A_26 : f32 to vector<4096x8xf32>
    %add3A_28 = arith.addf %dot_general3A_25, %add3A_27 : vector<4096x8xf32>
    %rsqrt3A = math.rsqrt %add3A_28 : vector<4096x8xf32>
    %mul3A_29 = arith.mulf %add3A_16, %rsqrt3A : vector<4096x8xf32>
    %mul3A_30 = vector.broadcast %get3A_19 : vector<1x8xf32> to vector<4096x8xf32>
    %mul3A_31 = arith.mulf %mul3A_29, %mul3A_30 : vector<4096x8xf32>
    %add3A_32 = vector.broadcast %get3A_22 : vector<1x8xf32> to vector<4096x8xf32>
    %add3A_33 = arith.addf %mul3A_31, %add3A_32 : vector<4096x8xf32>
    %ge3A = arith.constant 0.000000e+00 : f32
    %ge3A_34 = vector.broadcast %ge3A : f32 to vector<4096x8xf32>
    %ge3A_35 = arith.cmpf oge, %add3A_33, %ge3A_34 : vector<4096x8xf32>
    %mul3A_36 = arith.constant 2.000000e-01 : f32
    %mul3A_37 = vector.broadcast %mul3A_36 : f32 to vector<4096x8xf32>
    %mul3A_38 = arith.mulf %mul3A_37, %add3A_33 : vector<4096x8xf32>
    %select_n3A = arith.select %ge3A_35, %add3A_33, %mul3A_38 : vector<4096x8xi1>, vector<4096x8xf32>
    %get3A_39 = arith.constant 0 : index
    %get3A_40 = arith.constant 0 : index
    %get3A_41 = vector.load %arg8[%get3A_39, %get3A_40] : memref<8x8xf32, #tpu.memory_space<vmem>>, vector<8x8xf32>
    %dot_general3A_42 = arith.constant dense<0.000000e+00> : vector<4096x8xf32>
    %dot_general3A_43 = tpu.matmul %select_n3A, %get3A_41, %dot_general3A_42 {dimension_numbers = #tpu.dot_dimension_numbers<[1], [0], [0], [1], [0, 0, 1, 1], [], []>, transpose_lhs_hint = false} : vector<4096x8xf32>, vector<8x8xf32>, vector<4096x8xf32> -> vector<4096x8xf32>
    %get3A_44 = arith.constant 0 : index
    %get3A_45 = arith.constant 0 : index
    %get3A_46 = vector.load %arg9[%get3A_44, %get3A_45] : memref<1x8xf32, #tpu.memory_space<vmem>>, vector<1x8xf32>
    %add3A_47 = vector.broadcast %get3A_46 : vector<1x8xf32> to vector<4096x8xf32>
    %add3A_48 = arith.addf %dot_general3A_43, %add3A_47 : vector<4096x8xf32>
    %get3A_49 = arith.constant 0 : index
    %get3A_50 = arith.constant 0 : index
    %get3A_51 = vector.load %arg10[%get3A_49, %get3A_50] : memref<1x8xf32, #tpu.memory_space<vmem>>, vector<1x8xf32>
    %get3A_52 = arith.constant 0 : index
    %get3A_53 = arith.constant 0 : index
    %get3A_54 = vector.load %arg11[%get3A_52, %get3A_53] : memref<1x8xf32, #tpu.memory_space<vmem>>, vector<1x8xf32>
    %broadcast_in_dim3A_55 = arith.constant 1.250000e-01 : f32
    %broadcast_in_dim3A_56 = vector.broadcast %broadcast_in_dim3A_55 : f32 to vector<8x8xf32>
    %mul3A_57 = arith.mulf %add3A_48, %add3A_48 : vector<4096x8xf32>
    %dot_general3A_58 = arith.constant dense<0.000000e+00> : vector<4096x8xf32>
    %dot_general3A_59 = tpu.matmul %mul3A_57, %broadcast_in_dim3A_56, %dot_general3A_58 {dimension_numbers = #tpu.dot_dimension_numbers<[1], [0], [0], [1], [0, 0, 1, 1], [], []>, transpose_lhs_hint = false} : vector<4096x8xf32>, vector<8x8xf32>, vector<4096x8xf32> -> vector<4096x8xf32>
    %add3A_60 = arith.constant 9.99999974E-6 : f32
    %add3A_61 = vector.broadcast %add3A_60 : f32 to vector<4096x8xf32>
    %add3A_62 = arith.addf %dot_general3A_59, %add3A_61 : vector<4096x8xf32>
    %rsqrt3A_63 = math.rsqrt %add3A_62 : vector<4096x8xf32>
    %mul3A_64 = arith.mulf %add3A_48, %rsqrt3A_63 : vector<4096x8xf32>
    %mul3A_65 = vector.broadcast %get3A_51 : vector<1x8xf32> to vector<4096x8xf32>
    %mul3A_66 = arith.mulf %mul3A_64, %mul3A_65 : vector<4096x8xf32>
    %add3A_67 = vector.broadcast %get3A_54 : vector<1x8xf32> to vector<4096x8xf32>
    %add3A_68 = arith.addf %mul3A_66, %add3A_67 : vector<4096x8xf32>
    %ge3A_69 = arith.constant 0.000000e+00 : f32
    %ge3A_70 = vector.broadcast %ge3A_69 : f32 to vector<4096x8xf32>
    %ge3A_71 = arith.cmpf oge, %add3A_68, %ge3A_70 : vector<4096x8xf32>
    %mul3A_72 = arith.constant 2.000000e-01 : f32
    %mul3A_73 = vector.broadcast %mul3A_72 : f32 to vector<4096x8xf32>
    %mul3A_74 = arith.mulf %mul3A_73, %add3A_68 : vector<4096x8xf32>
    %select_n3A_75 = arith.select %ge3A_71, %add3A_68, %mul3A_74 : vector<4096x8xi1>, vector<4096x8xf32>
    %get3A_76 = arith.constant 0 : index
    %get3A_77 = arith.constant 0 : index
    %get3A_78 = vector.load %arg12[%get3A_76, %get3A_77] : memref<8x16xf32, #tpu.memory_space<vmem>>, vector<8x16xf32>
    %dot_general3A_79 = arith.constant dense<0.000000e+00> : vector<4096x16xf32>
    %dot_general3A_80 = tpu.matmul %select_n3A_75, %get3A_78, %dot_general3A_79 {dimension_numbers = #tpu.dot_dimension_numbers<[1], [0], [0], [1], [0, 0, 1, 1], [], []>, transpose_lhs_hint = false} : vector<4096x8xf32>, vector<8x16xf32>, vector<4096x16xf32> -> vector<4096x16xf32>
    %get3A_81 = arith.constant 0 : index
    %get3A_82 = arith.constant 0 : index
    %get3A_83 = vector.load %arg13[%get3A_81, %get3A_82] : memref<1x16xf32, #tpu.memory_space<vmem>>, vector<1x16xf32>
    %add3A_84 = vector.broadcast %get3A_83 : vector<1x16xf32> to vector<4096x16xf32>
    %add3A_85 = arith.addf %dot_general3A_80, %add3A_84 : vector<4096x16xf32>
    %get3A_86 = arith.constant 0 : index
    %get3A_87 = arith.constant 0 : index
    %get3A_88 = vector.load %arg14[%get3A_86, %get3A_87] : memref<1x16xf32, #tpu.memory_space<vmem>>, vector<1x16xf32>
    %get3A_89 = arith.constant 0 : index
    %get3A_90 = arith.constant 0 : index
    %get3A_91 = vector.load %arg15[%get3A_89, %get3A_90] : memref<1x16xf32, #tpu.memory_space<vmem>>, vector<1x16xf32>
    %broadcast_in_dim3A_92 = arith.constant 6.250000e-02 : f32
    %broadcast_in_dim3A_93 = vector.broadcast %broadcast_in_dim3A_92 : f32 to vector<16x16xf32>
    %mul3A_94 = arith.mulf %add3A_85, %add3A_85 : vector<4096x16xf32>
    %dot_general3A_95 = arith.constant dense<0.000000e+00> : vector<4096x16xf32>
    %dot_general3A_96 = tpu.matmul %mul3A_94, %broadcast_in_dim3A_93, %dot_general3A_95 {dimension_numbers = #tpu.dot_dimension_numbers<[1], [0], [0], [1], [0, 0, 1, 1], [], []>, transpose_lhs_hint = false} : vector<4096x16xf32>, vector<16x16xf32>, vector<4096x16xf32> -> vector<4096x16xf32>
    %add3A_97 = arith.constant 9.99999974E-6 : f32
    %add3A_98 = vector.broadcast %add3A_97 : f32 to vector<4096x16xf32>
    %add3A_99 = arith.addf %dot_general3A_96, %add3A_98 : vector<4096x16xf32>
    %rsqrt3A_100 = math.rsqrt %add3A_99 : vector<4096x16xf32>
    %mul3A_101 = arith.mulf %add3A_85, %rsqrt3A_100 : vector<4096x16xf32>
    %mul3A_102 = vector.broadcast %get3A_88 : vector<1x16xf32> to vector<4096x16xf32>
    %mul3A_103 = arith.mulf %mul3A_101, %mul3A_102 : vector<4096x16xf32>
    %add3A_104 = vector.broadcast %get3A_91 : vector<1x16xf32> to vector<4096x16xf32>
    %add3A_105 = arith.addf %mul3A_103, %add3A_104 : vector<4096x16xf32>
    %ge3A_106 = arith.constant 0.000000e+00 : f32
    %ge3A_107 = vector.broadcast %ge3A_106 : f32 to vector<4096x16xf32>
    %ge3A_108 = arith.cmpf oge, %add3A_105, %ge3A_107 : vector<4096x16xf32>
    %mul3A_109 = arith.constant 2.000000e-01 : f32
    %mul3A_110 = vector.broadcast %mul3A_109 : f32 to vector<4096x16xf32>
    %mul3A_111 = arith.mulf %mul3A_110, %add3A_105 : vector<4096x16xf32>
    %select_n3A_112 = arith.select %ge3A_108, %add3A_105, %mul3A_111 : vector<4096x16xi1>, vector<4096x16xf32>
    %slice3A_113 = vector.extract_strided_slice %get3A_3 {offsets = [0, 0], sizes = [4096, 64], strides = [1, 1]} : vector<4096x128xf32> to vector<4096x64xf32>
    %broadcast_in_dim3A_114 = arith.constant 0.000000e+00 : f32
    %broadcast_in_dim3A_115 = vector.broadcast %broadcast_in_dim3A_114 : f32 to vector<4096x61xf32>
    %concatenate3A = tpu.concatenate %slice3A_113, %sub3A, %broadcast_in_dim3A_115 in 1 : vector<4096x64xf32>, vector<4096x3xf32>, vector<4096x61xf32> -> vector<4096x128xf32>
    %reshape3A = vector.shape_cast %concatenate3A : vector<4096x128xf32> to vector<256x16x128xf32>
    %reshape3A_116 = vector.shape_cast %select_n3A_112 : vector<4096x16xf32> to vector<256x16x16xf32>
    %dot_general3A_117 = arith.constant dense<0.000000e+00> : vector<256x16x128xf32>
    %dot_general3A_118 = tpu.matmul %reshape3A_116, %reshape3A, %dot_general3A_117 {dimension_numbers = #tpu.dot_dimension_numbers<[1], [1], [2], [2], [0, 0, 0, 2, 1, 2], [0], [0]>, transpose_lhs_hint = false} : vector<256x16x16xf32>, vector<256x16x128xf32>, vector<256x16x128xf32> -> vector<256x16x128xf32>
    %get3A_119 = arith.constant 0 : index
    %get3A_120 = arith.constant 0 : index
    %get3A_121 = vector.load %arg17[%get3A_119, %get3A_120] : memref<1x64xf32, #tpu.memory_space<vmem>>, vector<1x64xf32>
    %reshape3A_122 = vector.shape_cast %dot_general3A_118 : vector<256x16x128xf32> to vector<256x2048xf32>
    %get3A_123 = arith.constant 0 : index
    %get3A_124 = arith.constant 0 : index
    %get3A_125 = arith.constant 0 : index
    %get3A_126 = vector.load %arg16[%get3A_123, %get3A_124, %get3A_125] : memref<16x128x64xf32, #tpu.memory_space<vmem>>, vector<16x128x64xf32>
    %reshape3A_127 = vector.shape_cast %get3A_126 : vector<16x128x64xf32> to vector<2048x64xf32>
    %dot_general3A_128 = arith.constant dense<0.000000e+00> : vector<256x64xf32>
    %dot_general3A_129 = tpu.matmul %reshape3A_122, %reshape3A_127, %dot_general3A_128 {dimension_numbers = #tpu.dot_dimension_numbers<[1], [0], [0], [1], [0, 0, 1, 1], [], []>, transpose_lhs_hint = false} : vector<256x2048xf32>, vector<2048x64xf32>, vector<256x64xf32> -> vector<256x64xf32>
    %add3A_130 = vector.broadcast %get3A_121 : vector<1x64xf32> to vector<256x64xf32>
    %add3A_131 = arith.addf %add3A_130, %dot_general3A_129 : vector<256x64xf32>
    %get3A_132 = arith.constant 0 : index
    %get3A_133 = arith.constant 0 : index
    %get3A_134 = vector.load %arg18[%get3A_132, %get3A_133] : memref<1x64xf32, #tpu.memory_space<vmem>>, vector<1x64xf32>
    %get3A_135 = arith.constant 0 : index
    %get3A_136 = arith.constant 0 : index
    %get3A_137 = vector.load %arg19[%get3A_135, %get3A_136] : memref<1x64xf32, #tpu.memory_space<vmem>>, vector<1x64xf32>
    %broadcast_in_dim3A_138 = arith.constant 1.562500e-02 : f32
    %broadcast_in_dim3A_139 = vector.broadcast %broadcast_in_dim3A_138 : f32 to vector<64x64xf32>
    %mul3A_140 = arith.mulf %add3A_131, %add3A_131 : vector<256x64xf32>
    %dot_general3A_141 = arith.constant dense<0.000000e+00> : vector<256x64xf32>
    %dot_general3A_142 = tpu.matmul %mul3A_140, %broadcast_in_dim3A_139, %dot_general3A_141 {dimension_numbers = #tpu.dot_dimension_numbers<[1], [0], [0], [1], [0, 0, 1, 1], [], []>, transpose_lhs_hint = false} : vector<256x64xf32>, vector<64x64xf32>, vector<256x64xf32> -> vector<256x64xf32>
    %add3A_143 = arith.constant 9.99999974E-6 : f32
    %add3A_144 = vector.broadcast %add3A_143 : f32 to vector<256x64xf32>
    %add3A_145 = arith.addf %dot_general3A_142, %add3A_144 : vector<256x64xf32>
    %rsqrt3A_146 = math.rsqrt %add3A_145 : vector<256x64xf32>
    %mul3A_147 = arith.mulf %add3A_131, %rsqrt3A_146 : vector<256x64xf32>
    %mul3A_148 = vector.broadcast %get3A_134 : vector<1x64xf32> to vector<256x64xf32>
    %mul3A_149 = arith.mulf %mul3A_147, %mul3A_148 : vector<256x64xf32>
    %add3A_150 = vector.broadcast %get3A_137 : vector<1x64xf32> to vector<256x64xf32>
    %add3A_151 = arith.addf %mul3A_149, %add3A_150 : vector<256x64xf32>
    %ge3A_152 = arith.constant 0.000000e+00 : f32
    %ge3A_153 = vector.broadcast %ge3A_152 : f32 to vector<256x64xf32>
    %ge3A_154 = arith.cmpf oge, %add3A_151, %ge3A_153 : vector<256x64xf32>
    %mul3A_155 = arith.constant 2.000000e-01 : f32
    %mul3A_156 = vector.broadcast %mul3A_155 : f32 to vector<256x64xf32>
    %mul3A_157 = arith.mulf %mul3A_156, %add3A_151 : vector<256x64xf32>
    %select_n3A_158 = arith.select %ge3A_154, %add3A_151, %mul3A_157 : vector<256x64xi1>, vector<256x64xf32>
    %swap3A = arith.constant 0 : index
    %swap3A_159 = arith.constant 0 : index
    %swap3A_160 = arith.constant 0 : index
    %swap3A_161 = vector.load %arg20[%swap3A, %swap3A_159, %swap3A_160] : memref<1x256x64xf32, #tpu.memory_space<vmem>>, vector<1x256x64xf32>
    %swap3A_162 = vector.shape_cast %swap3A_161 : vector<1x256x64xf32> to vector<256x64xf32>
    %swap3A_163 = vector.shape_cast %select_n3A_158 : vector<256x64xf32> to vector<1x256x64xf32>
    tpu.vector_store %arg20[%swap3A, %swap3A_159, %swap3A_160], %swap3A_163 {strides = array<i32>} : memref<1x256x64xf32, #tpu.memory_space<vmem>>, vector<1x256x64xf32>,
    return
  }
  func.func @transform_0(%arg0: i32, %arg1: i32) -> (i32, i32, i32) {
    %c0_i32 = arith.constant 0 : i32
    %c0_i32_0 = arith.constant 0 : i32
    return %arg0, %arg1, %c0_i32 : i32, i32, i32
  }
  func.func @transform_1(%arg0: i32, %arg1: i32) -> (i32, i32, i32) {
    %c0_i32 = arith.constant 0 : i32
    %c0_i32_0 = arith.constant 0 : i32
    return %arg0, %arg1, %c0_i32 : i32, i32, i32
  }
  func.func @transform_2(%arg0: i32, %arg1: i32) -> (i32, i32) {
    %c0_i32 = arith.constant 0 : i32
    %c0_i32_0 = arith.constant 0 : i32
    %c0_i32_1 = arith.constant 0 : i32
    return %c0_i32, %c0_i32_0 : i32, i32
  }
  func.func @transform_3(%arg0: i32, %arg1: i32) -> (i32, i32) {
    %c0_i32 = arith.constant 0 : i32
    %c0_i32_0 = arith.constant 0 : i32
    %c0_i32_1 = arith.constant 0 : i32
    return %c0_i32, %c0_i32_0 : i32, i32
  }
  func.func @transform_4(%arg0: i32, %arg1: i32) -> (i32, i32) {
    %c0_i32 = arith.constant 0 : i32
    %c0_i32_0 = arith.constant 0 : i32
    %c0_i32_1 = arith.constant 0 : i32
    return %c0_i32, %c0_i32_0 : i32, i32
  }
  func.func @transform_5(%arg0: i32, %arg1: i32) -> (i32, i32) {
    %c0_i32 = arith.constant 0 : i32
    %c0_i32_0 = arith.constant 0 : i32
    %c0_i32_1 = arith.constant 0 : i32
    return %c0_i32, %c0_i32_0 : i32, i32
  }
  func.func @transform_6(%arg0: i32, %arg1: i32) -> (i32, i32) {
    %c0_i32 = arith.constant 0 : i32
    %c0_i32_0 = arith.constant 0 : i32
    %c0_i32_1 = arith.constant 0 : i32
    return %c0_i32, %c0_i32_0 : i32, i32
  }
  func.func @transform_7(%arg0: i32, %arg1: i32) -> (i32, i32) {
    %c0_i32 = arith.constant 0 : i32
    %c0_i32_0 = arith.constant 0 : i32
    %c0_i32_1 = arith.constant 0 : i32
    return %c0_i32, %c0_i32_0 : i32, i32
  }
  func.func @transform_8(%arg0: i32, %arg1: i32) -> (i32, i32) {
    %c0_i32 = arith.constant 0 : i32
    %c0_i32_0 = arith.constant 0 : i32
    %c0_i32_1 = arith.constant 0 : i32
    return %c0_i32, %c0_i32_0 : i32, i32
  }
  func.func @transform_9(%arg0: i32, %arg1: i32) -> (i32, i32) {
    %c0_i32 = arith.constant 0 : i32
    %c0_i32_0 = arith.constant 0 : i32
    %c0_i32_1 = arith.constant 0 : i32
    return %c0_i32, %c0_i32_0 : i32, i32
  }
  func.func @transform_10(%arg0: i32, %arg1: i32) -> (i32, i32) {
    %c0_i32 = arith.constant 0 : i32
    %c0_i32_0 = arith.constant 0 : i32
    %c0_i32_1 = arith.constant 0 : i32
    return %c0_i32, %c0_i32_0 : i32, i32
  }
  func.func @transform_11(%arg0: i32, %arg1: i32) -> (i32, i32) {
    %c0_i32 = arith.constant 0 : i32
    %c0_i32_0 = arith.constant 0 : i32
    %c0_i32_1 = arith.constant 0 : i32
    return %c0_i32, %c0_i32_0 : i32, i32
  }
  func.func @transform_12(%arg0: i32, %arg1: i32) -> (i32, i32) {
    %c0_i32 = arith.constant 0 : i32
    %c0_i32_0 = arith.constant 0 : i32
    %c0_i32_1 = arith.constant 0 : i32
    return %c0_i32, %c0_i32_0 : i32, i32
  }
  func.func @transform_13(%arg0: i32, %arg1: i32) -> (i32, i32) {
    %c0_i32 = arith.constant 0 : i32
    %c0_i32_0 = arith.constant 0 : i32
    %c0_i32_1 = arith.constant 0 : i32
    return %c0_i32, %c0_i32_0 : i32, i32
  }
  func.func @transform_14(%arg0: i32, %arg1: i32) -> (i32, i32, i32) {
    %c0_i32 = arith.constant 0 : i32
    %c0_i32_0 = arith.constant 0 : i32
    %c0_i32_1 = arith.constant 0 : i32
    %c0_i32_2 = arith.constant 0 : i32
    return %c0_i32, %c0_i32_0, %c0_i32_1 : i32, i32, i32
  }
  func.func @transform_15(%arg0: i32, %arg1: i32) -> (i32, i32) {
    %c0_i32 = arith.constant 0 : i32
    %c0_i32_0 = arith.constant 0 : i32
    %c0_i32_1 = arith.constant 0 : i32
    return %c0_i32, %c0_i32_0 : i32, i32
  }
  func.func @transform_16(%arg0: i32, %arg1: i32) -> (i32, i32) {
    %c0_i32 = arith.constant 0 : i32
    %c0_i32_0 = arith.constant 0 : i32
    %c0_i32_1 = arith.constant 0 : i32
    return %c0_i32, %c0_i32_0 : i32, i32
  }
  func.func @transform_17(%arg0: i32, %arg1: i32) -> (i32, i32) {
    %c0_i32 = arith.constant 0 : i32
    %c0_i32_0 = arith.constant 0 : i32
    %c0_i32_1 = arith.constant 0 : i32
    return %c0_i32, %c0_i32_0 : i32, i32
  }
  func.func @transform_18(%arg0: i32, %arg1: i32) -> (i32, i32, i32) {
    %c0_i32 = arith.constant 0 : i32
    %c0_i32_0 = arith.constant 0 : i32
    return %arg0, %arg1, %c0_i32 : i32, i32, i32
  }
}

</mosaic_0001>

<sc_bundles>
// kernel: kernel.4.cloned.1.call-start
scs
__scs_entry_jumppad:
0x0: {  	(pc) =	sbr.rel $0x88, $3  }
0x1: {  	(tag) =	ssettag $0x0;
	lr =	simm.s32 $0x1  }
0x2: {  	[smem:$0x3F8D] =	sst lr;
	_ =	strace $0xD0000000  }
0x3: {  	_ = 	snop  }
0x4: {  	_ = 	snop  }
0x5: {  	_ = 	snop  }
0x6: {  	_ = 	snop  }
0x7: {  	_ = 	snop  }
__scs_overlays_trampoline_lowered:
0x8: {  	[smem:$0x3F9C] =	sst s0  }
0x9: {  	[smem:$0x3F9D] =	sst s1  }
0xa: {  	[smem:$0x3F9E] =	sst s2  }
0xb: {  	[smem:$0x3F9F] =	sst s3  }
0xc: {  	[smem:$0x3FA0] =	sst s4  }
0xd: {  	[smem:$0x3FA1] =	sst s5  }
0xe: {  	[smem:$0x3FA2] =	sst s6  }
0xf: {  	[smem:$0x3FA3] =	sst s7  }
0x10: {  	[smem:$0x3FA4] =	sst s8  }
0x11: {  	[smem:$0x3FA5] =	sst s9;
	s0 =	simm.s32 @!p0 $0x0  }
0x12: {  	s1 =	sld [smem:$0x3F8B];
	s0 =	simm.s32 @p0 $0x1  }
0x13: {  	[smem:$0x3FA6] =	sst s0;
	s0 =	simm.s32 @!p1 $0x0  }
0x14: {  	s2 =	sld [smem:$0x3F8A];
	s0 =	simm.s32 @p1 $0x1  }
0x15: {  	[smem:$0x3FA7] =	sst s0;
	s0 =	simm.s32 @!p2 $0x0  }
0x16: {  	s3 =	sld [smem:$0x3FDB];
	s0 =	simm.s32 @p2 $0x1  }
0x17: {  	s4 =	simm.s32 $0x1BF5;
	[smem:$0x3FA9] =	sst s0  }
0x18: {  	s0 =	sld [smem:$0x3F8C];
	_ =	swait.ge [sflag:s4], $0x0  }
0x19: {  	s7 =	sld [smem:$0x3F8D]  }
0x1a: {  	s8 =	sadd.s32 $0xFFFFE003, lr  }
0x1b: {  	s9 =	sadd.s32 $0xFFFFFEF7, lr;
	s5 =	simm.s32 $0xFFFFFFFF;
	p2 =	slt.u32 s8, $0xFFFFF086  }
0x1c: {  	p1 =	slt.u32 s9, $0xF7A;
	s5 =	simm.s32 @!p2 $0x0  }
0x1d: {  	s5 =	simm.s32 @p1 $0x1;
	p0 =	seq.s32 s7, s2  }
0x1e: {  	s7 =	smul.u32 @!p0 $0xF7A, s2;
	p2 =	seq.s32 @!p0 s5, $0x0  }
0x1f: {  	s9 =	smul.u32 $0xF7A, s1;
	s8 =	simm.s32 @!p0 $0x1BF5;
	p2 =	por !p2, p0  }
0x20: {  	[sflag:s8] =	ssyncset.s32 @!p0 $0xFFFFF086;
	s6 =	sadd.s32 @!p0 s3, s7;
	s7 =	simm.s32 @!p0 $0x108  }
0x21: {  	s3 =	sadd.s32 s3, s9;
	s6 =	sadd.s32 @!p0 $0x88, s6;
	s7 =	simm.s32 @p2 $0x1082  }
0x22: {  	[simem:s7], [sflag:s8] =	dma.local @!p0 [hbm:s6], $0xF7A  }
0x23: {  	s9 =	sor.u32 $0xD0000000, s2;
	s6 =	simm.s32 $0x108;
	_ =	swait.ge @!p0 [sflag:s8], $0x0  }
0x24: {  	s3 =	sadd.s32 $0x88, s3;
	s6 =	simm.s32 @!p1 $0x1082;
	[sflag:s4] =	ssyncset.s32 $0xFFFFF086  }
0x25: {  	[simem:s6], [sflag:s4] =	dma.local [hbm:s3], $0xF7A  }
0x26: {  	[smem:$0x3F8D] =	sst s1;
	(tag) =	ssettag s2;
	_ =	strace s9  }
0x27: {  	s1 =	sld [smem:$0x3F9D]  }
0x28: {  	s2 =	sld [smem:$0x3F9E]  }
0x29: {  	s4 =	sld [smem:$0x3FA0]  }
0x2a: {  	p0 =	seq.s32 s5, $0x0;
	s5 =	sld [smem:$0x3FA1]  }
0x2b: {  	s6 =	sld [smem:$0x3FA2]  }
0x2c: {  	s7 =	sld [smem:$0x3FA3]  }
0x2d: {  	s3 =	simm.s32 $0x108;
	s8 =	sld [smem:$0x3FA4]  }
0x2e: {  	s3 =	simm.s32 @!p0 $0x1082;
	s9 =	sld [smem:$0x3FA5]  }
0x2f: {  	lr =	sadd.s32 s0, s3;
	s0 =	sld [smem:$0x3F9C]  }
0x30: {  	s3 =	sld [smem:$0x3F9F]  }
0x31: {  	[smem:$0x3FA8] =	sst s10  }
0x32: {  	s10 =	sld [smem:$0x3FA6];
	_ =	sdelay $0x3  }
0x33: {  	p0 =	seq.s32 s10, $0x1;
	s10 =	sld [smem:$0x3FA8];
	_ =	sdelay $0x3  }
0x34: {  	[smem:$0x3FA8] =	sst s10  }
0x35: {  	s10 =	sld [smem:$0x3FA7];
	_ =	sdelay $0x3  }
0x36: {  	p1 =	seq.s32 s10, $0x1;
	s10 =	sld [smem:$0x3FA8];
	_ =	sdelay $0x3  }
0x37: {  	[smem:$0x3FA8] =	sst s10  }
0x38: {  	s10 =	sld [smem:$0x3FA9]  }
0x39: {  	_ = 	snop;
	(pc) =	sbr.ind lr, $3  }
0x3a: {  	_ = 	snop  }
0x3b: {  	_ = 	snop  }
0x3c: {  	p2 =	seq.s32 s10, $0x1;
	s10 =	sld [smem:$0x3FA8]  }
0x3d: {  	_ =	shalt  }
0x3e: {  	_ =	shalt  }
0x3f: {  	_ =	shalt  }
0x40: {  	_ =	shalt  }
0x41: {  	_ =	shalt  }
0x42: {  	_ =	shalt  }
0x43: {  	_ =	shalt  }
0x44: {  	_ =	shalt  }
0x45: {  	_ =	shalt  }
0x46: {  	_ =	shalt  }
0x47: {  	_ =	shalt  }
0x48: {  	_ =	shalt  }
0x49: {  	_ =	shalt  }
0x4a: {  	_ =	shalt  }
0x4b: {  	_ =	shalt  }
0x4c: {  	_ =	shalt  }
0x4d: {  	_ =	shalt  }
0x4e: {  	_ =	shalt  }
0x4f: {  	_ =	shalt  }
0x50: {  	_ =	shalt  }
0x51: {  	_ =	shalt  }
0x52: {  	_ =	shalt  }
0x53: {  	_ =	shalt  }
0x54: {  	_ =	shalt  }
0x55: {  	_ =	shalt  }
0x56: {  	_ =	shalt  }
0x57: {  	_ =	shalt  }
0x58: {  	_ =	shalt  }
0x59: {  	_ =	shalt  }
0x5a: {  	_ =	shalt  }
0x5b: {  	_ =	shalt  }
0x5c: {  	_ =	shalt  }
0x5d: {  	_ =	shalt  }
0x5e: {  	_ =	shalt  }
0x5f: {  	_ =	shalt  }
0x60: {  	_ =	shalt  }
0x61: {  	_ =	shalt  }
0x62: {  	_ =	shalt  }
0x63: {  	_ =	shalt  }
0x64: {  	_ =	shalt  }
0x65: {  	_ =	shalt  }
0x66: {  	_ =	shalt  }
0x67: {  	_ =	shalt  }
0x68: {  	_ =	shalt  }
0x69: {  	_ =	shalt  }
0x6a: {  	_ =	shalt  }
0x6b: {  	_ =	shalt  }
0x6c: {  	_ =	shalt  }
0x6d: {  	_ =	shalt  }
0x6e: {  	_ =	shalt  }
0x6f: {  	_ =	shalt  }
0x70: {  	_ =	shalt  }
0x71: {  	_ =	shalt  }
0x72: {  	_ =	shalt  }
0x73: {  	_ =	shalt  }
0x74: {  	_ =	shalt  }
0x75: {  	_ =	shalt  }
0x76: {  	_ =	shalt  }
0x77: {  	_ =	shalt  }
0x78: {  	_ =	shalt  }
0x79: {  	_ =	shalt  }
0x7a: {  	_ =	shalt  }
0x7b: {  	_ =	shalt  }
0x7c: {  	_ =	shalt  }
0x7d: {  	_ =	shalt  }
0x7e: {  	_ =	shalt  }
0x7f: {  	_ =	shalt  }
0x80: {  	_ =	shalt  }
0x81: {  	_ =	shalt  }
0x82: {  	_ =	shalt  }
0x83: {  	_ =	shalt  }
0x84: {  	_ =	shalt  }
0x85: {  	_ =	shalt  }
0x86: {  	_ =	shalt  }
0x87: {  	_ =	shalt  }
.Lfunc_end0:
.L_simem_size_0:
called_computation.1_lowered:
.L_overlay_start_0:
0x88: {  	s2 =	sld [smem:$0x3FD9]  }
0x89: {  	s3 =	sld [smem:$0x3FFE];
	_ =	sdelay $0x1  }
0x8a: {  	s1 =	srdreg.scid  }
0x8b: {  	s0 =	sand.u32 $0x1, s1  }
0x8c: {  	s17 =	sshll.u32 s0, $0xA;
	s2 =	sadd.s32 s3, s2  }
0x8d: {  	s2 =	sadd.s32 s2, s17  }
0x8e: {  	[smem:$0x3FB4] =	sst s2  }
0x8f: {  	_ = 	snop  }
0x90: {  	s2 =	sld [smem:$0x3FD0];
	(tm) =	ssettm $0x1  }
0x91: {  	s18 =	sld [smem:$0x3FFB];
	_ =	sdelay $0x3  }
0x92: {  	_ =	strace s18  }
0x93: {  	s3 =	sld [smem:$0x3FFC];
	_ =	sdelay $0x3  }
0x94: {  	_ =	strace s3  }
0x95: {  	s3 =	sld [smem:$0x3FFD];
	_ =	sdelay $0x3  }
0x96: {  	_ =	strace s3  }
0x97: {  	_ =	strace $0x8FFFFFFF  }
0x98: {  	s19 =	sld [smem:$0x3FDB];
	_ =	sdelay $0x1  }
0x99: {  	s4 =	simm.s32 $_scs_section_size  }
0x9a: {  	s5 =	simm.s32 $_size__tile_overlayer_lowered;
	s6 =	simm.s32 $_tile_overlayer_lowered  }
0x9b: {  	s22 =	simm.s32 $0x1BFF;
	s21 =	sshll.u32 s6, $0x1;
	s3 =	sadd.s32 s4, s19  }
0x9c: {  	s7 =	simm.s32 $0x0;
	s20 =	sshll.u32 s5, $0x1;
	s5 =	sadd.s32 s21, s3  }
0x9d: {  	[timem:s7], [sflag:s22] =	dma.local [hbm:s5], s20  }
0x9e: {  	_ =	swait.ge [sflag:s22], s20  }
0x9f: {  	s4 =	ssub.s32 $0x0, s20;
	[sflag:s22] =	ssyncset.done $0x0  }
0xa0: {  	[sflag:s22] =	ssyncadd.s32 s4;
	_ =	sdelay $0x1  }
0xa1: {  	s23 =	simm.s32 $0x1B8B  }
0xa2: {  	_ =	swait.ge [sflag:s23], $0x1  }
0xa3: {  	[sflag:s23] =	ssyncset.done $0x0  }
0xa4: {  	s25 =	simm.s32 $0x1B8E;
	s24 =	sld [smem:$0x3FFE];
	[sflag:s23] =	ssyncadd.s32 $0xFFFFFFFF  }
0xa5: {  	s26 =	simm.s32 $execute0_lowered;
	[smem:$0x3FD2] =	sst s25  }
0xa6: {  	s5 =	sshll.u32 s26, $0x1;
	_ =	strace $0x80000049;
	[dreg:$0x1] =	wrdreg $0xFFFFFFFF  }
0xa7: {  	s28 =	simm.s32 $_size_execute0_lowered;
	s3 =	sadd.s32 s3, s5;
	[dreg:$0x0] =	wrdreg $0x0  }
0xa8: {  	s5 =	sshll.u32 s28, $0x1;
	[dreg:$0x2] =	wrdreg s3  }
0xa9: {  	[dreg:$0x3] =	wrdreg s5  }
0xaa: {  	[dreg:$0x4] =	wrdreg $0xC0  }
0xab: {  	_ =	task [dreg:s7], $0x5FFFF  }
0xac: {  	[dreg:$0x1] =	wrdreg $0xFFFFFFFF  }
0xad: {  	[dreg:$0x0] =	wrdreg $0x60  }
0xae: {  	[dreg:$0x2] =	wrdreg s24  }
0xaf: {  	[dreg:$0x3] =	wrdreg s2  }
0xb0: {  	[dreg:$0x4] =	wrdreg $0x9  }
0xb1: {  	_ =	task.clear_ibuf [dreg:s7], $0x5FFFF;
	_ =	strace $0x90000049  }
0xb2: {  	s29 =	simm.s32 $0x9;
	_ =	strace $0x8000004B  }
0xb3: {  	_ =	swait.ge [sflag:s29], $0x1  }
0xb4: {  	[sflag:s29] =	ssyncadd.s32 $0xFFFFFFFF  }
0xb5: {  	_ =	strace $0x9000004B  }
0xb6: {  	_ =	sfence  }
0xb7: {  	s30 =	sld [smem:$0x0];
	_ =	sdelay $0x2  }
0xb8: {  	s31 =	sshll.u32 s1, $0xD;
	s1 =	sshrl.u32 s1, $0x2  }
0xb9: {  	s3 =	sand.u32 $0x4000, s31;
	s1 =	sadd.s32 s1, s30  }
0xba: {  	s0 =	sor.u32 s3, s0;
	s1 =	sshll.u32 s1, $0x11  }
0xbb: {  	s0 =	sor.u32 s1, s0  }
0xbc: {  	s0 =	sadd.s32 $0x8F2B, s0  }
0xbd: {  	[sflag:s0] =	ssyncadd.remote.s32 $0x1  }
0xbe: {  	_ =	sfence.sel $0xFFFF  }
0xbf: {  	[dreg:$0x0] =	wrdreg $0xFFFFFFFF;
	(pc) =	sbr.abs _section_cstart, $3  }
0xc0: {  	[dreg:$0x1] =	wrdreg $0xFFFFFFFF  }
0xc1: {  	_ =	task.clear_ibuf [dreg:s7], $0x2FFFF;
	_ =	strace $0x9FFFFFFF  }
0xc2: {  	(tm) =	ssettm $0x7FFFFFFF  }
0xc3: {  	_ =	shalt  }
tec
execute0_lowered:
.L_overlay_start_1:
0x0: {  	(tag) =	ssettag $0x1  }
0x1: {  	s4 =	rddreg [dreg:$0x0]  }
0x2: {  	s6 =	rddreg [dreg:$0x1]  }
0x3: {  	s0 =	rddreg [dreg:$0x2];
	s2 =	simm.s32 $0x0;
	s1 =	stileid.u32  }
0x4: {  	s3 =	srdreg.scid;
	[smem:$0x7FF] =	sst s2  }
0x5: {  	s5 =	sshll.u32 s1, $0x13;
	s7 =	sand.u32 $0x1, s3;
	s3 =	sadd.s32 $0x202C00, s4  }
0x6: {  	s9 =	sshll.u32 s1, $0xF;
	_ =	strace $0x8000004A;
	s5 =	sadd.s32 s5, s4  }
0x7: {  	s29 =	ssub.s32 $0x2, s7;
	s10 =	sshll.u32 s7, $0xE;
	s7 =	sshll.u32 s7, $0x12  }
0x8: {  	s8 =	sshrl.u32 s29, $0x1;
	s30 =	sor.u32 s10, s9;
	s5 =	sadd.s32 s7, s5  }
0x9: {  	s7 =	simm.s32 $0x2;
	s9 =	simm.s32 $0x1;
	s10 =	simm.s32 $0x0  }
0xa: {  	s4 =	ssub.s32 s29, s8;
	s31 =	sshrl.u32 s30, $0x3;
	s5 =	sadd.s32 $0x402C00, s5  }
0xb: {  	s8 =	simm.s32 $0x200;
	s4 =	smax.u32 s4, $0x1;
	s6 =	sadd.s32 s31, s6  }
.LBB2_1:
0xc: {  	s11 =	sadd.s32 $0x0, s6  }
0xd: {  	[tilespmem:s2], [sflag:$0x2] =	stream.linear.gather [hbm4b:s11+s2], $0x200, $0x38;
	[tilespmem:$0x10200] =	vst v63  }
0xe: {  	_ =	swait.ge [sflag:s7], $0x200  }
0xf: {  	[sflag:s7] =	ssyncset.done $0x0  }
0x10: {  	[sflag:s7] =	ssyncadd.s32 $0xFFFFFE00  }
0x11: {  	[tilespmem:s8], [sflag:$0x1] =	stream.indirect.gather [hbm4b:s3+s8], $0x80, s2, s8, $0xb8;
	[tilespmem:$0x10200] =	vst v63  }
0x12: {  	_ =	swait.ge [sflag:s9], $0x10000  }
0x13: {  	[sflag:s9] =	ssyncset.done $0x0  }
0x14: {  	[sflag:s9] =	ssyncadd.s32 $0xFFFF0000  }
0x15: {  	[hbm4b:s5+s2] =	stream.linear.scatter [tilespmem:s8], [sflag:$0x2], $0x10000, $0x38;
	[tilespmem:$0x10200] =	vst v63  }
0x16: {  	s12 =	simm.s32 $0x40;
	_ =	swait.ge [sflag:s7], $0x10000  }
0x17: {  	s13 =	simm.s32 $0x80;
	s11 =	sadd.s32 $0x2000, s5;
	[sflag:s7] =	ssyncset.done $0x0  }
.LBB2_2:
0x18: {  	s14 =	sadd.s32 s12, s6  }
0x19: {  	[sflag:s7] =	ssyncadd.s32 $0xFFFF0000;
	s12 =	smov.u32 s13;
	s15 =	sadd.s32 $0x40, s13  }
0x1a: {  	[tilespmem:s2], [sflag:$0x2] =	stream.linear.gather [hbm4b:s14+s2], $0x200, $0x38;
	[tilespmem:$0x10200] =	vst v63  }
0x1b: {  	p0 =	sne.s32 s13, $0x7C0;
	_ =	swait.ge [sflag:s7], $0x200  }
0x1c: {  	[sflag:s7] =	ssyncset.done $0x0  }
0x1d: {  	[sflag:s7] =	ssyncadd.s32 $0xFFFFFE00  }
0x1e: {  	[tilespmem:s8], [sflag:$0x1] =	stream.indirect.gather [hbm4b:s3+s8], $0x80, s2, s8, $0xb8;
	[tilespmem:$0x10200] =	vst v63  }
0x1f: {  	_ =	swait.ge [sflag:s9], $0x10000  }
.Ltmp0:
0x20: {  	[sflag:s9] =	ssyncset.done $0x0;
	(pc) =	sbr.rel @p0 .LBB2_2-.Ltmp0, $4  }
0x21: {  	[sflag:s9] =	ssyncadd.s32 $0xFFFF0000  }
0x22: {  	[hbm4b:s11+s2] =	stream.linear.scatter [tilespmem:s8], [sflag:$0x2], $0x10000, $0x38;
	[tilespmem:$0x10200] =	vst v63  }
0x23: {  	_ =	swait.ge [sflag:s7], $0x10000  }
0x24: {  	s13 =	smov.u32 s15;
	s11 =	sadd.s32 $0x2000, s11;
	[sflag:s7] =	ssyncset.done $0x0  }
0x25: {  	s12 =	sadd.s32 s12, s6;
	[sflag:s7] =	ssyncadd.s32 $0xFFFF0000  }
0x26: {  	[tilespmem:s2], [sflag:$0x2] =	stream.linear.gather [hbm4b:s12+s2], $0x200, $0x38;
	[tilespmem:$0x10200] =	vst v63  }
0x27: {  	_ =	swait.ge [sflag:s7], $0x200  }
0x28: {  	[sflag:s7] =	ssyncset.done $0x0  }
0x29: {  	[sflag:s7] =	ssyncadd.s32 $0xFFFFFE00  }
0x2a: {  	[tilespmem:s8], [sflag:$0x1] =	stream.indirect.gather [hbm4b:s3+s8], $0x80, s2, s8, $0xb8;
	[tilespmem:$0x10200] =	vst v63  }
0x2b: {  	s10 =	sadd.s32 $0x1, s10;
	_ =	swait.ge [sflag:s9], $0x10000  }
0x2c: {  	p0 =	sne.s32 s10, s4;
	[sflag:s9] =	ssyncset.done $0x0  }
.Ltmp1:
0x2d: {  	[sflag:s9] =	ssyncadd.s32 $0xFFFF0000;
	(pc) =	sbr.rel @p0 .LBB2_1-.Ltmp1, $4  }
0x2e: {  	[hbm4b:s11+s2] =	stream.linear.scatter [tilespmem:s8], [sflag:$0x2], $0x10000, $0x38;
	[tilespmem:$0x10200] =	vst v63  }
0x2f: {  	_ =	swait.ge [sflag:s7], $0x10000  }
0x30: {  	[sflag:s7] =	ssyncset.done $0x0  }
0x31: {  	[sflag:s7] =	ssyncadd.s32 $0xFFFF0000  }
0x32: {  	_ =	sfence.sel $0x180000  }
0x33: {  	[bflag:$0x0] =	sbarrier.arrive $0xFFFF  }
0x34: {  	p0 =	sne.s32 s1, $0x0;
	_ =	strace $0x9000004A  }
0x35: {  	s0 =	sadd.s32 @!p0 $0x100000, s0;
	[bflag:$0x2] =	sbarrier.arrive $0xFFFF  }
0x36: {  	[sflag:s0] =	ssyncadd.tile.s32 @!p0 $0x1;
	_ =	shalt  }
.Lfunc_end2:
_tile_overlayer_lowered:
.L_overlay_start_2:
0x37: {  	(tag) =	ssettag $0x2  }
0x38: {  	s0 =	rddreg [dreg:$0x0];
	s2 =	stileid.u32  }
0x39: {  	s1 =	rddreg [dreg:$0x1];
	p0 =	sne.s32 s2, $0x0  }
0x3a: {  	s3 =	rddreg [dreg:$0x2];
	[bflag:$0x3] =	sbarrier.arrive $0xFFFF;
	s2 =	simm.s32 @!p0 $0x1C02  }
0x3b: {  	[timem:s3], [sflag:s2] =	dma.local @!p0 [hbm:s0], s1  }
0x3c: {  	s0 =	simm.s32 @!p0 $0x2  }
0x3d: {  	_ =	swait.ge @!p0 [sflag:s0], s1  }
0x3e: {  	s1 =	ssub.s32 @!p0 $0x0, s1;
	[sflag:s0] =	ssyncset.done @!p0 $0x0  }
0x3f: {  	[sflag:s0] =	ssyncadd.s32 @!p0 s1  }
0x40: {  	[bflag:$0x3] =	sbarrier.arrive $0xFFFF  }
0x41: {  	_ =	shalt  }

// kernel: sparse-core-data-format-call.cloned.1.call-start
scs
called_computation_lowered:
.L_overlay_start_0:
0x0: {  	s1 =	sld [smem:$0x3FD9]  }
0x1: {  	s2 =	sld [smem:$0x3FFE];
	_ =	sdelay $0x1  }
0x2: {  	s3 =	srdreg.scid  }
0x3: {  	s0 =	sand.u32 $0x1, s3  }
0x4: {  	s17 =	sshll.u32 s0, $0xA;
	s1 =	sadd.s32 s2, s1  }
0x5: {  	s1 =	sadd.s32 s1, s17  }
0x6: {  	[smem:$0x3FB4] =	sst s1  }
0x7: {  	_ = 	snop  }
0x8: {  	(tm) =	ssettm $0x1  }
0x9: {  	s18 =	sld [smem:$0x3FFB];
	_ =	sdelay $0x3  }
0xa: {  	_ =	strace s18  }
0xb: {  	s1 =	sld [smem:$0x3FFC];
	_ =	sdelay $0x3  }
0xc: {  	_ =	strace s1  }
0xd: {  	s1 =	sld [smem:$0x3FFD];
	_ =	sdelay $0x3  }
0xe: {  	_ =	strace s1  }
0xf: {  	_ =	strace $0x8FFFFFFF  }
0x10: {  	s19 =	sld [smem:$0x3FDB];
	_ =	sdelay $0x1  }
0x11: {  	s20 =	simm.s32 $_scs_section_size  }
0x12: {  	s4 =	simm.s32 $_size__tile_overlayer_lowered;
	s5 =	simm.s32 $_tile_overlayer_lowered  }
0x13: {  	s23 =	simm.s32 $0x1BFF;
	s22 =	sshll.u32 s5, $0x1;
	s1 =	sadd.s32 s20, s19  }
0x14: {  	s6 =	simm.s32 $0x0;
	s21 =	sshll.u32 s4, $0x1;
	s4 =	sadd.s32 s22, s1  }
0x15: {  	[timem:s6], [sflag:s23] =	dma.local [hbm:s4], s21  }
0x16: {  	_ =	swait.ge [sflag:s23], s21  }
0x17: {  	s2 =	ssub.s32 $0x0, s21;
	[sflag:s23] =	ssyncset.done $0x0  }
0x18: {  	[sflag:s23] =	ssyncadd.s32 s2;
	_ =	sdelay $0x1  }
0x19: {  	s24 =	simm.s32 $0x1B8B  }
0x1a: {  	_ =	swait.ge [sflag:s24], $0x1  }
0x1b: {  	[sflag:s24] =	ssyncset.done $0x0  }
0x1c: {  	s26 =	simm.s32 $0x1B8E;
	s25 =	sld [smem:$0x3FFE];
	[sflag:s24] =	ssyncadd.s32 $0xFFFFFFFF  }
0x1d: {  	s27 =	simm.s32 $execute0_lowered;
	[smem:$0x3FD2] =	sst s26  }
0x1e: {  	s4 =	sshll.u32 s27, $0x1;
	_ =	strace $0x80000046;
	[dreg:$0x1] =	wrdreg $0xFFFFFFFF  }
0x1f: {  	s28 =	simm.s32 $_size_execute0_lowered;
	s1 =	sadd.s32 s1, s4;
	[dreg:$0x0] =	wrdreg $0x0  }
0x20: {  	s4 =	sshll.u32 s28, $0x1;
	[dreg:$0x2] =	wrdreg s1  }
0x21: {  	[dreg:$0x3] =	wrdreg s4  }
0x22: {  	[dreg:$0x4] =	wrdreg $0xC0  }
0x23: {  	_ =	task [dreg:s6], $0x5FFFF  }
0x24: {  	[dreg:$0x1] =	wrdreg $0xFFFFFFFF  }
0x25: {  	[dreg:$0x0] =	wrdreg $0x60  }
0x26: {  	[dreg:$0x2] =	wrdreg s25  }
0x27: {  	[dreg:$0x3] =	wrdreg $0x9  }
0x28: {  	_ =	task.clear_ibuf [dreg:s6], $0x4FFFF;
	_ =	strace $0x90000046  }
0x29: {  	s29 =	simm.s32 $0x9;
	_ =	strace $0x80000048  }
0x2a: {  	_ =	swait.ge [sflag:s29], $0x1  }
0x2b: {  	[sflag:s29] =	ssyncadd.s32 $0xFFFFFFFF  }
0x2c: {  	_ =	strace $0x90000048  }
0x2d: {  	_ =	sfence  }
0x2e: {  	s30 =	sld [smem:$0x0];
	_ =	sdelay $0x2  }
0x2f: {  	s31 =	sshll.u32 s3, $0xD;
	s3 =	sshrl.u32 s3, $0x2  }
0x30: {  	s2 =	sand.u32 $0x4000, s31;
	s1 =	sadd.s32 s3, s30  }
0x31: {  	s0 =	sor.u32 s2, s0;
	s1 =	sshll.u32 s1, $0x11  }
0x32: {  	s0 =	sor.u32 s1, s0  }
0x33: {  	s0 =	sadd.s32 $0x8F2B, s0  }
0x34: {  	[sflag:s0] =	ssyncadd.remote.s32 $0x1  }
0x35: {  	_ =	sfence.sel $0xFFFF  }
0x36: {  	[dreg:$0x0] =	wrdreg $0xFFFFFFFF;
	(pc) =	sbr.abs _section_cstart, $3  }
0x37: {  	[dreg:$0x1] =	wrdreg $0xFFFFFFFF  }
0x38: {  	_ =	task.clear_ibuf [dreg:s6], $0x2FFFF;
	_ =	strace $0x9FFFFFFF  }
0x39: {  	(tm) =	ssettm $0x7FFFFFFF  }
tec
execute0_lowered:
.L_overlay_start_1:
0x0: {  	(tag) =	ssettag $0x1  }
0x1: {  	s0 =	stileid.u32  }
0x2: {  	s1 =	srdreg.scid;
	s4 =	rddreg [dreg:$0x0]  }
0x3: {  	s7 =	simm.s32 $0x1;
	s8 =	simm.s32 $0x2;
	s15 =	simm.s32 $0x0  }
0x4: {  	s13 =	simm.s32 $0x0;
	s2 =	sshll.u32 s0, $0x4;
	s1 =	sshll.u32 s1, $0x8  }
0x5: {  	s14 =	simm.s32 $0x0;
	s10 =	simm.s32 $0x0;
	s1 =	sor.u32 s2, s1  }
0x6: {  	s12 =	simm.s32 $0x0;
	s3 =	sadd.s32 $0x2C00, s4;
	s2 =	sand.u32 $0x180, s1  }
0x7: {  	s4 =	sadd.s32 $0x202C00, s4;
	s1 =	rddreg [dreg:$0x1];
	s6 =	ssub.s32 $0x4000, s2  }
.Ltmp0:
0x8: {  	_ =	strace $0x80000047;
	s5 =	sand.u32 $0x180, s6;
	(pc) =	sbr.rel .LBB1_1-.Ltmp0, $4  }
0x9: {  	s9 =	smov.u32 s2;
	p0 =	sne.s32 s5, $0x0;
	s5 =	simm.s32 $0x1  }
0xa: {  	s6 =	sshrl.u32 s6, $0x9;
	s7 =	simm.s32 @!p0 $0x0;
	[sflag:s5] =	ssyncpa.u1 $0x0  }
0xb: {  	p0 =	por $0x0, $0x0;
	s6 =	sadd.s32 s7, s6;
	s7 =	sand.u32 $0x7, s0  }
0xc: {  	[sflag:s8] =	ssyncpa.u1 $0x0;
	s8 =	sadd.s32 $0x1, s6;
	s11 =	smov.u32 s7  }
.LBB1_4:
0xd: {  	v5 =	vld [tilespmem:s19+$0xFFFFFFD0];
	[tilespmem:s18+$0x2040 ss:$0x81] =	vst.msk $0xffff, v1  }
0xe: {  	v58 =	vld [tilespmem:s19+$0xFFFFFFE0];
	[tilespmem:s18+$0x2850 ss:$0x81] =	vst.msk $0xffff, v2  }
0xf: {  	s20 =	sshra.s32 s20, $0x2;
	v59 =	vld [tilespmem:s19+$0xFFFFFFF0];
	[tilespmem:s18+$0x3060 ss:$0x81] =	vst.msk $0xffff, v3  }
0x10: {  	v60 =	vld [tilespmem:s19+$0x0];
	[tilespmem:s18+$0x0 ss:$0x81] =	vst.msk $0xffff, v0;
	s17 =	sadd.s32 s20, s17  }
0x11: {  	v61 =	vld [tilespmem:s19+$0x10];
	[tilespmem:s17+$0x3870 ss:$0x81] =	vst.msk $0xffff, v4  }
0x12: {  	v62 =	vld [tilespmem:s19+$0x20];
	s15 =	sshll.u32 s15, $0x7;
	s28 =	sshll.u32 s13, $0x3;
	[tilespmem:s17+$0x810 ss:$0x81] =	vst.msk $0xffff, v5  }
0x13: {  	v63 =	vld [tilespmem:s19+$0xFFFFFFC0];
	s29 =	sand.u32 $0x1FFC00, s15;
	s18 =	sand.u32 $0x1FFC00, s28;
	[tilespmem:s17+$0x1020 ss:$0x81] =	vst.msk $0xffff, v58  }
0x14: {  	s15 =	sand.u32 $0x380, s15;
	s18 =	sadd.s32 s18, s29;
	[tilespmem:s17+$0x1830 ss:$0x81] =	vst.msk $0xffff, v59  }
0x15: {  	s14 =	sshll.u32 s14, $0x12;
	s30 =	sshrl.u32 s13, $0x3;
	s15 =	sor.u32 s15, s18;
	[tilespmem:s17+$0x2040 ss:$0x81] =	vst.msk $0xffff, v60  }
0x16: {  	s14 =	sadd.s32 s4, s14;
	s18 =	sand.u32 $0xF, s30;
	s15 =	sshrl.u32 s15, $0x3;
	[tilespmem:s17+$0x2850 ss:$0x81] =	vst.msk $0xffff, v61  }
0x17: {  	s14 =	sadd.s32 s18, s14;
	[tilespmem:s17+$0x3060 ss:$0x81] =	vst.msk $0xffff, v62;
	s15 =	sand.u32 $0x3FFF0, s15  }
0x18: {  	s31 =	sand.u32 $0x7, s13;
	[tilespmem:s17+$0x0 ss:$0x81] =	vst.msk $0xffff, v63;
	s14 =	sadd.s32 s15, s14  }
0x19: {  	[hbm4b:s14+s31] =	stream.linear.scatter [tilespmem:s16], [sflag:$0x2], $0x4000, $0x20;
	[tilespmem:$0x10100] =	vst v63  }
.LBB1_5:
0x1a: {  	s16 =	sadd.s32 $0x200, s9  }
0x1b: {  	s13 =	sadd.s32 $0x80, s10;
	s17 =	smov.u32 s10;
	p2 =	sgt.s32 s16, $0x3FFF  }
0x1c: {  	s17 =	smov.u32 @p2 s13  }
0x1d: {  	s19 =	smov.u32 s11;
	s13 =	sadd.s32 $0x8, s11;
	p3 =	sgt.s32 s17, $0x7F  }
0x1e: {  	s19 =	smov.u32 @p3 s13  }
0x1f: {  	s16 =	smov.u32 @p2 s2;
	p2 =	sgt.s32 s19, $0x7  }
0x20: {  	p1 =	slt.u32 s12, $0x2;
	s19 =	smov.u32 @p2 s7;
	p2 =	sne.s32 s12, s8  }
.Ltmp1:
0x21: {  	s18 =	simm.s32 @!p1 $0x2;
	(pc) =	sbr.rel @!p2 .LBB1_6-.Ltmp1, $4  }
0x22: {  	s15 =	smov.u32 s9;
	s14 =	smov.u32 s11;
	_ =	swait.ge @!p1 [sflag:s18], $0x4000  }
0x23: {  	p0 =	por !p0, !p0;
	[sflag:s18] =	ssyncset.done @!p1 $0x0;
	s9 =	smov.u32 s16  }
0x24: {  	s17 =	simm.s32 @p3 $0x0;
	s13 =	smov.u32 s10;
	[sflag:s18] =	ssyncadd.s32 @!p1 $0xFFFFC000  }
0x25: {  	s10 =	smov.u32 s17;
	s12 =	sadd.s32 $0x1, s12;
	s11 =	smov.u32 s19  }
.LBB1_1:
0x26: {  	p1 =	sge.u32 s12, s6;
	s31 =	sadd.s32 $0xFFFFFFFF, s12  }
0x27: {  	s16 =	sxor.u32 @!p1 $0xFFFFFFFF, s12;
	s17 =	sand.u32 @!p1 $0x78, s9;
	s18 =	sshll.u32 @!p1 s10, $0xE  }
0x28: {  	s19 =	sshll.u32 @!p1 s10, $0x7;
	s20 =	sshll.u32 @!p1 s9, $0x3;
	s16 =	sshll.u32 @!p1 s16, $0xE  }
0x29: {  	s18 =	sand.u32 @!p1 $0x1E0000, s18;
	s19 =	sand.u32 @!p1 $0x380, s19;
	s16 =	sand.u32 @!p1 $0x4000, s16  }
0x2a: {  	s18 =	sadd.s32 @!p1 s18, s20;
	s20 =	sand.u32 @!p1 $0x3C00, s20;
	s17 =	sor.u32 @!p1 s19, s17  }
0x2b: {  	s19 =	sshll.u32 @!p1 s11, $0x12;
	s17 =	sor.u32 @!p1 s20, s17;
	s18 =	sshrl.u32 @!p1 s18, $0x3  }
0x2c: {  	s19 =	sadd.s32 @!p1 s3, s19;
	s20 =	sand.u32 @!p1 $0x7, s9;
	s18 =	sand.u32 @!p1 $0x3F800, s18  }
0x2d: {  	s17 =	sshrl.u32 @!p1 s17, $0x3;
	s18 =	sadd.s32 @!p1 s18, s19;
	s19 =	sshll.u32 @!p1 s20, $0x12  }
0x2e: {  	s17 =	sadd.s32 @!p1 s17, s18;
	s18 =	sor.u32 @!p1 $0x400, s19;
	s19 =	simm.s32 @!p1 $0x20000  }
0x2f: {  	[tilespmem:s16], [sflag:$0x1] =	stream.strided.gather @!p1 [hbm4b:s17+s18], $0x4000, s19, s18, $0x38;
	[tilespmem:$0x10100] =	vst v63  }
0x30: {  	p1 =	sge.u32 s31, s6  }
.Ltmp2:
0x31: {  	_ = 	snop;
	(pc) =	sbr.rel @p1 .LBB1_5-.Ltmp2, $1  }
0x32: {  	_ =	sdelay $0x3  }
0x33: {  	s16 =	simm.s32 $0x1  }
0x34: {  	_ =	swait.ge [sflag:s5], $0x4000;
	s16 =	simm.s32 @!p0 $0x0  }
0x35: {  	[sflag:s5] =	ssyncset.done $0x0;
	s17 =	sshll.u32 s16, $0xE  }
0x36: {  	[sflag:s5] =	ssyncadd.s32 $0xFFFFC000;
	s19 =	sor.u32 $0x40, s17  }
0x37: {  	s16 =	smul.u32 $0x10200, s16;
	v0 =	vld [tilespmem:s19+$0x30]  }
0x38: {  	v3 =	vld [tilespmem:s19+$0xFFFFFFD0]  }
0x39: {  	s16 =	sshrl.u32 s16, $0x2;
	v4 =	vld [tilespmem:s19+$0xFFFFFFE0]  }
0x3a: {  	v5 =	vld [tilespmem:s19+$0xFFFFFFF0];
	s17 =	sor.u32 $0x8000, s16  }
0x3b: {  	s31 =	sand.u32 $0x1, s12;
	v1 =	vld [tilespmem:s19+$0x0];
	s18 =	sadd.s32 $0x0, s17  }
0x3c: {  	v2 =	vld [tilespmem:s19+$0x10];
	s16 =	smul.u32 $0x10200, s31;
	[tilespmem:s18+$0x3870 ss:$0x81] =	vst.msk $0xffff, v0  }
0x3d: {  	[tilespmem:s18+$0x810 ss:$0x81] =	vst.msk $0xffff, v3;
	v3 =	vld [tilespmem:s19+$0x20]  }
0x3e: {  	s16 =	sshrl.u32 s16, $0x2;
	v0 =	vld [tilespmem:s19+$0xFFFFFFC0];
	[tilespmem:s18+$0x1020 ss:$0x81] =	vst.msk $0xffff, v4;
	s19 =	sadd.s32 $0x80, s19  }
0x3f: {  	s20 =	simm.s32 $0x4;
	s21 =	simm.s32 $0x8;
	s16 =	sor.u32 $0x8000, s16;
	[tilespmem:s18+$0x1830 ss:$0x81] =	vst.msk $0xffff, v5;
	v4 =	vld [tilespmem:s19+$0x30]  }
.LBB1_3:
0x40: {  	p1 =	sne.s32 s21, $0x1FC;
	v5 =	vld [tilespmem:s19+$0xFFFFFFD0];
	[tilespmem:s18+$0x2040 ss:$0x81] =	vst.msk $0xffff, v1  }
0x41: {  	v6 =	vld [tilespmem:s19+$0xFFFFFFE0];
	[tilespmem:s18+$0x2850 ss:$0x81] =	vst.msk $0xffff, v2  }
0x42: {  	s22 =	sshra.s32 s20, $0x2;
	s20 =	smov.u32 s21;
	v7 =	vld [tilespmem:s19+$0xFFFFFFF0];
	[tilespmem:s18+$0x3060 ss:$0x81] =	vst.msk $0xffff, v3  }
.Ltmp3:
0x43: {  	v1 =	vld [tilespmem:s19+$0x0];
	[tilespmem:s18+$0x0 ss:$0x81] =	vst.msk $0xffff, v0;
	s18 =	sadd.s32 s22, s17;
	(pc) =	sbr.rel @p1 .LBB1_3-.Ltmp3, $4  }
0x44: {  	v2 =	vld [tilespmem:s19+$0x10];
	[tilespmem:s18+$0x3870 ss:$0x81] =	vst.msk $0xffff, v4  }
0x45: {  	[tilespmem:s18+$0x810 ss:$0x81] =	vst.msk $0xffff, v5;
	v3 =	vld [tilespmem:s19+$0x20]  }
0x46: {  	v0 =	vld [tilespmem:s19+$0xFFFFFFC0];
	[tilespmem:s18+$0x1020 ss:$0x81] =	vst.msk $0xffff, v6;
	s19 =	sadd.s32 $0x80, s19  }
0x47: {  	s21 =	sadd.s32 $0x4, s21;
	v4 =	vld [tilespmem:s19+$0x30];
	[tilespmem:s18+$0x1830 ss:$0x81] =	vst.msk $0xffff, v7  }
.Ltmp4:
0x48: {  	_ = 	snop;
	(pc) =	sbr.rel .LBB1_4-.Ltmp4, $1  }
0x49: {  	_ =	sdelay $0x3  }
.LBB1_6:
0x4a: {  	_ =	sfence.sel $0x180000  }
0x4b: {  	s2 =	simm.s32 $0x1;
	[bflag:$0x0] =	sbarrier.arrive $0xFFFF  }
0x4c: {  	s31 =	simm.s32 $0x2;
	[sflag:s2] =	ssyncpa.u1 $0x1  }
0x4d: {  	[sflag:s31] =	ssyncpa.u1 $0x1  }
0x4e: {  	p0 =	sne.s32 s0, $0x0;
	_ =	strace $0x90000047  }
0x4f: {  	s0 =	sadd.s32 @!p0 $0x100000, s1;
	[bflag:$0x2] =	sbarrier.arrive $0xFFFF  }
0x50: {  	[sflag:s0] =	ssyncadd.tile.s32 @!p0 $0x1;
	_ =	shalt  }
.Lfunc_end1:
_tile_overlayer_lowered:
.L_overlay_start_2:
0x51: {  	(tag) =	ssettag $0x2  }
0x52: {  	s0 =	rddreg [dreg:$0x0];
	s2 =	stileid.u32  }
0x53: {  	s1 =	rddreg [dreg:$0x1];
	p0 =	sne.s32 s2, $0x0  }
0x54: {  	s3 =	rddreg [dreg:$0x2];
	[bflag:$0x3] =	sbarrier.arrive $0xFFFF;
	s2 =	simm.s32 @!p0 $0x1C01  }
0x55: {  	[timem:s3], [sflag:s2] =	dma.local @!p0 [hbm:s0], s1  }
0x56: {  	s0 =	simm.s32 @!p0 $0x1  }
0x57: {  	_ =	swait.ge @!p0 [sflag:s0], s1  }
0x58: {  	s1 =	ssub.s32 @!p0 $0x0, s1;
	[sflag:s0] =	ssyncset.done @!p0 $0x0  }
0x59: {  	[sflag:s0] =	ssyncadd.s32 @!p0 s1  }
0x5a: {  	[bflag:$0x3] =	sbarrier.arrive $0xFFFF  }
0x5b: {  	_ =	shalt  }

</sc_bundles>
